<compile_context>
chip_gen: v7x
topology: tpu7x:2x2x1
jax: 0.10.2.dev20260603
libtpu: 0.0.44.dev20260713+nightly
codegen_flags: <defaults>
</compile_context>

<pallas_src>
import functools

import jax
import jax.numpy as jnp
from jax import lax
from jax.experimental import pallas as pl
from jax.experimental.pallas import tpu as pltpu
from jax.experimental.pallas import tpu_sc as plsc

_NEG_INF = -1e10
_T = 2048
_V = 10000
_NB = 512
_EOS = 1
_START = 9
_R = 256
_NW = 32
_PER_W = (_T * _NB) // _NW


def _row_stats_body(x_ref, w_ref, cb_ref, carry_ref):
    i = pl.program_id(0)

    @pl.when(i == 0)
    def _():
        carry_ref[0] = 0.0

    x = x_ref[...]
    m = jnp.max(x, axis=1, keepdims=True)
    s = jnp.sum(jnp.exp(x - m), axis=1, keepdims=True)
    lse = m + jnp.log(s)
    blank = x[:, _V - 1:_V]
    p = blank - lse

    r_i = lax.broadcasted_iota(jnp.int32, (_R, _R), 0)
    c_i = lax.broadcasted_iota(jnp.int32, (_R, _R), 1)
    tril = (r_i > c_i).astype(jnp.float32)
    excl = lax.dot_general(tril, p, (((1,), (0,)), ((), ())),
                           preferred_element_type=jnp.float32)

    carry = carry_ref[0]
    cb_prev = excl + carry
    carry_ref[0] = carry + jnp.sum(p)

    t_idx = i * _R + lax.broadcasted_iota(jnp.int32, (_R, 1), 0)
    w = jnp.where(t_idx >= _START, cb_prev - lse, _NEG_INF)
    w_ref[pl.ds(i * _R, _R), :] = w
    cb_ref[pl.ds(i * _R, _R), :] = cb_prev + p


def _row_stats(ctc_prob):
    return pl.pallas_call(
        _row_stats_body,
        grid=(_T // _R,),
        in_specs=[pl.BlockSpec((_R, _V), lambda i: (i, 0))],
        out_specs=[pl.BlockSpec((_T, 1), lambda i: (0, 0)),
                   pl.BlockSpec((_T, 1), lambda i: (0, 0))],
        out_shape=[jax.ShapeDtypeStruct((_T, 1), jnp.float32),
                   jax.ShapeDtypeStruct((_T, 1), jnp.float32)],
        scratch_shapes=[pltpu.SMEM((1,), jnp.float32)],
    )(ctc_prob)


_ROWS_W = _T // _NW


def _sc_gather(prob2d, c):
    mesh = plsc.VectorSubcoreMesh(core_axis_name="c", subcore_axis_name="s")

    gw = _ROWS_W * _NB

    @functools.partial(
        pl.kernel,
        mesh=mesh,
        out_type=jax.ShapeDtypeStruct((_T * _NB,), jnp.float32),
        compiler_params=pltpu.CompilerParams(needs_layout_passes=False),
        scratch_types=[
            pltpu.VMEM((_NB,), jnp.int32),
            pltpu.VMEM((_V,), jnp.float32),
            pltpu.VMEM((_V,), jnp.float32),
            pltpu.VMEM((_V,), jnp.float32),
            pltpu.VMEM((_V,), jnp.float32),
            pltpu.VMEM((gw,), jnp.float32),
            pltpu.SemaphoreType.DMA,
            pltpu.SemaphoreType.DMA,
            pltpu.SemaphoreType.DMA,
            pltpu.SemaphoreType.DMA,
        ],
    )
    def gather(prob_hbm, c_hbm, out_hbm, c_v, rb0, rb1, rb2, rb3, g_v,
               sem0, sem1, sem2, sem3):
        wid = lax.axis_index("s") * 2 + lax.axis_index("c")
        base_row = wid * _ROWS_W
        bufs = (rb0, rb1, rb2, rb3)
        sems = (sem0, sem1, sem2, sem3)
        pltpu.sync_copy(c_hbm, c_v)
        for b in range(4):
            pltpu.async_copy(prob_hbm.at[base_row + b], bufs[b], sems[b])

        def quad(i, _):
            for b in range(4):
                r = 4 * i + b
                pltpu.make_async_copy(prob_hbm.at[base_row], bufs[b],
                                      sems[b]).wait()

                def chunk(k, _, buf=bufs[b], r=r):
                    idx = c_v[pl.ds(k * 16, 16)]
                    vals = plsc.load_gather(buf, [idx])
                    g_v[pl.ds(r * _NB + k * 16, 16)] = vals
                    return 0

                lax.fori_loop(0, _NB // 16, chunk, 0)

                @pl.when(r + 4 < _ROWS_W)
                def _(b=b, r=r):
                    pltpu.async_copy(prob_hbm.at[base_row + r + 4],
                                     bufs[b], sems[b])
            return 0

        lax.fori_loop(0, _ROWS_W // 4, quad, 0)
        pltpu.sync_copy(g_v, out_hbm.at[pl.ds(wid * gw, gw)])

    return gather(prob2d, c)


def _combine_body(g_ref, w_ref, cb_ref, c_ref, out_ref):
    y = g_ref[...] + w_ref[...]
    m = jnp.max(y, axis=0, keepdims=True)
    s = jnp.sum(jnp.exp(y - m), axis=0, keepdims=True)
    score = m + jnp.log(s)
    cb_last = cb_ref[_T - 1, 0]
    out_ref[...] = jnp.where(c_ref[...] == _EOS, cb_last, score)


def _combine(g, w, cb, c2d):
    return pl.pallas_call(
        _combine_body,
        out_shape=jax.ShapeDtypeStruct((1, _NB), jnp.float32),
    )(g, w, cb, c2d)


def kernel(ctc_prob, g, c):
    del g
    n = _NB // 32
    c = c.astype(jnp.int32)
    g_flat = _sc_gather(ctc_prob, c)
    gmat = g_flat.reshape(_T, _NB)
    w, cb = _row_stats(ctc_prob)
    score = _combine(gmat, w, cb, c.reshape(1, _NB))
    return score.reshape(n, 32)

# --- scband reference (transcript-rebuilt; emitter-appended) ---
"""Pipeline reference for scband-ctc-scorer-65635690218257 (READ-ONLY COPY).

The authoritative reference and input builder live on the scoring server;
editing this copy changes nothing except your own understanding.
"""

import jax, jax.numpy as jnp
import numpy as np

NEG_INF = -1e10
T, V = 2048, 10000
N, U = 16, 10
CTC_BEAM = 32
EOS = 1


def setup_inputs(seed: int = 0) -> dict:
    key = jax.random.key(seed)
    k1, k2, k3 = jax.random.split(key, 3)
    ctc_prob = jax.random.normal(k1, (T, V), dtype=jnp.float32)
    g = jax.random.randint(k2, (N, U), 0, V)
    c = jax.random.randint(k3, (N * CTC_BEAM,), 0, V)
    return {"ctc_prob": ctc_prob, "g": g, "c": c}


def _ctc_forward(ctc_prob, g, c):
    # __init__ precompute: log-softmax over vocab, blank-only path gamma_b_g
    logp = jax.nn.log_softmax(ctc_prob, axis=-1)
    Tn = logp.shape[0]
    n = g.shape[0]
    ctc_beam = c.shape[0] // n
    nb = n * ctc_beam
    blank_lp = logp[:, -1]  # blank index = -1
    # gamma_b_g[t] = sum_{s<=t} logp[s, blank], identical across hypotheses;
    # already repeat_interleaved to nb columns (torch forward does the repeat)
    gamma_b_g = jnp.broadcast_to(jnp.cumsum(blank_lp)[:, None], (Tn, nb))
    gamma_n_g = jnp.full((Tn, nb), NEG_INF, dtype=logp.dtype)
    ctc_score = jnp.zeros((nb,), dtype=logp.dtype)

    # forward
    repeat_g = jnp.repeat(g, ctc_beam, axis=0)  # (nb, U)
    glen = g.shape[-1] - 1
    start = max(glen, 1)
    if glen == 0:
        init_n = logp[0, c]
    else:
        init_n = jnp.full((nb,), NEG_INF, dtype=logp.dtype)
    init_b = jnp.full((nb,), NEG_INF, dtype=logp.dtype)
    score0 = init_n
    repeat = repeat_g[:, -1] != c  # (nb,) bool
    prob_c = logp[:, c]  # (T, nb) gather of candidate-token log-probs

    def step(carry, xs):
        n_prev, b_prev, score = carry
        pc_t, pb_t, gng_tm1, gbg_tm1 = xs
        term = jnp.where(repeat, gng_tm1, NEG_INF)
        phi = jnp.logaddexp(gbg_tm1, term)
        n_t = jnp.logaddexp(n_prev, phi) + pc_t
        b_t = jnp.logaddexp(b_prev, n_prev) + pb_t
        score = jnp.logaddexp(score, phi + pc_t)
        return (n_t, b_t, score), None

    xs = (prob_c[start:], blank_lp[start:],
          gamma_n_g[start - 1:Tn - 1], gamma_b_g[start - 1:Tn - 1])
    (n_last, b_last, score), _ = jax.lax.scan(step, (init_n, init_b, score0), xs)

    is_eos = c == EOS
    gamma_nb_g = jnp.logaddexp(gamma_b_g[-1], gamma_n_g[-1])
    score = jnp.where(is_eos, gamma_nb_g, score)
    delta_score = (score - ctc_score).reshape(-1, ctc_beam)
    return delta_score


def reference(ctc_prob, g, c):
    return _ctc_forward(ctc_prob, g, c)

if __name__ == "__main__":
    import jax
    _d = setup_inputs()
    print(jax.jit(kernel)(*tuple(_d.values())))

</pallas_src>

<mosaic_0001>
#map = affine_map<(d0, d1) -> (0, 0)>
#map1 = affine_map<(d0, d1) -> (0)>
module attributes {stable_mosaic.version = 14 : i64} {
  func.func @gather(%arg0: i32, %arg1: i32, %arg2: memref<2048x10000xf32, #tpu.memory_space<hbm>>, %arg3: memref<512xi32, #tpu.memory_space<hbm>>, %arg4: memref<1048576xf32, #tpu.memory_space<hbm>>, %arg5: memref<512xi32, #tpu.memory_space<vmem>>, %arg6: memref<10000xf32, #tpu.memory_space<vmem>>, %arg7: memref<10000xf32, #tpu.memory_space<vmem>>, %arg8: memref<10000xf32, #tpu.memory_space<vmem>>, %arg9: memref<10000xf32, #tpu.memory_space<vmem>>, %arg10: memref<32768xf32, #tpu.memory_space<vmem>>, %arg11: memref<!tpu.dma_semaphore, #tpu.memory_space<semaphore_mem>>, %arg12: memref<!tpu.dma_semaphore, #tpu.memory_space<semaphore_mem>>, %arg13: memref<!tpu.dma_semaphore, #tpu.memory_space<semaphore_mem>>, %arg14: memref<!tpu.dma_semaphore, #tpu.memory_space<semaphore_mem>>) attributes {dimension_semantics = [#tpu.dimension_semantics<core_parallel>, #tpu.dimension_semantics<subcore_parallel>], iteration_bounds = array<i64: 2, 16>, scalar_prefetch = 0 : i64, scratch_operands = 10 : i64, tpu.core_type = #tpu.core_type<sc_vector_subcore>, window_params = [{transform_indices = #map}, {transform_indices = #map1}, {transform_indices = #map1}]} {
    %mul3A = arith.constant 2 : i32
    %mul3A_0 = arith.muli %arg1, %mul3A : i32
    %add3A = arith.addi %mul3A_0, %arg0 : i32
    %mul3A_1 = arith.constant 64 : i32
    %mul3A_2 = arith.muli %add3A, %mul3A_1 : i32
    "tpu.region"() ({
      %run_scoped3A = tpu.sem_alloc : memref<!tpu.dma_semaphore, #tpu.memory_space<semaphore_mem>>
      tpu.enqueue_dma source(%arg3 : memref<512xi32, #tpu.memory_space<hbm>>) target(%arg5 : memref<512xi32, #tpu.memory_space<vmem>>) target_semaphore(%run_scoped3A : memref<!tpu.dma_semaphore, #tpu.memory_space<semaphore_mem>>)
      tpu.wait_dma2 semaphore(%run_scoped3A : memref<!tpu.dma_semaphore, #tpu.memory_space<semaphore_mem>>) src(%arg3 : memref<512xi32, #tpu.memory_space<hbm>>) dst(%arg5 : memref<512xi32, #tpu.memory_space<vmem>>)
      tpu.yield
    }) : () -> ()
    %add3A_3 = arith.constant 0 : i32
    %add3A_4 = arith.addi %mul3A_2, %add3A_3 : i32
    %dma_start3A = arith.constant 0 : i32
    %dma_start3A_5 = tpu.memref_slice %arg2[%add3A_4, %dma_start3A] : memref<2048x10000xf32, #tpu.memory_space<hbm>> -> memref<1x10000xf32, #tpu.memory_space<hbm>>
    %dma_start3A_6 = tpu.memref_squeeze %dma_start3A_5 : memref<1x10000xf32, #tpu.memory_space<hbm>> -> memref<10000xf32, #tpu.memory_space<hbm>>
    %dma_start3A_7 = arith.constant 0 : i32
    %dma_start3A_8 = tpu.memref_slice %arg2[%add3A_4, %dma_start3A_7] : memref<2048x10000xf32, #tpu.memory_space<hbm>> -> memref<1x10000xf32, #tpu.memory_space<hbm>>
    %dma_start3A_9 = tpu.memref_squeeze %dma_start3A_8 : memref<1x10000xf32, #tpu.memory_space<hbm>> -> memref<10000xf32, #tpu.memory_space<hbm>>
    tpu.enqueue_dma source(%dma_start3A_9 : memref<10000xf32, #tpu.memory_space<hbm>>) target(%arg6 : memref<10000xf32, #tpu.memory_space<vmem>>) target_semaphore(%arg11 : memref<!tpu.dma_semaphore, #tpu.memory_space<semaphore_mem>>)
    %add3A_10 = arith.constant 1 : i32
    %add3A_11 = arith.addi %mul3A_2, %add3A_10 : i32
    %dma_start3A_12 = arith.constant 0 : i32
    %dma_start3A_13 = tpu.memref_slice %arg2[%add3A_11, %dma_start3A_12] : memref<2048x10000xf32, #tpu.memory_space<hbm>> -> memref<1x10000xf32, #tpu.memory_space<hbm>>
    %dma_start3A_14 = tpu.memref_squeeze %dma_start3A_13 : memref<1x10000xf32, #tpu.memory_space<hbm>> -> memref<10000xf32, #tpu.memory_space<hbm>>
    %dma_start3A_15 = arith.constant 0 : i32
    %dma_start3A_16 = tpu.memref_slice %arg2[%add3A_11, %dma_start3A_15] : memref<2048x10000xf32, #tpu.memory_space<hbm>> -> memref<1x10000xf32, #tpu.memory_space<hbm>>
    %dma_start3A_17 = tpu.memref_squeeze %dma_start3A_16 : memref<1x10000xf32, #tpu.memory_space<hbm>> -> memref<10000xf32, #tpu.memory_space<hbm>>
    tpu.enqueue_dma source(%dma_start3A_17 : memref<10000xf32, #tpu.memory_space<hbm>>) target(%arg7 : memref<10000xf32, #tpu.memory_space<vmem>>) target_semaphore(%arg12 : memref<!tpu.dma_semaphore, #tpu.memory_space<semaphore_mem>>)
    %add3A_18 = arith.constant 2 : i32
    %add3A_19 = arith.addi %mul3A_2, %add3A_18 : i32
    %dma_start3A_20 = arith.constant 0 : i32
    %dma_start3A_21 = tpu.memref_slice %arg2[%add3A_19, %dma_start3A_20] : memref<2048x10000xf32, #tpu.memory_space<hbm>> -> memref<1x10000xf32, #tpu.memory_space<hbm>>
    %dma_start3A_22 = tpu.memref_squeeze %dma_start3A_21 : memref<1x10000xf32, #tpu.memory_space<hbm>> -> memref<10000xf32, #tpu.memory_space<hbm>>
    %dma_start3A_23 = arith.constant 0 : i32
    %dma_start3A_24 = tpu.memref_slice %arg2[%add3A_19, %dma_start3A_23] : memref<2048x10000xf32, #tpu.memory_space<hbm>> -> memref<1x10000xf32, #tpu.memory_space<hbm>>
    %dma_start3A_25 = tpu.memref_squeeze %dma_start3A_24 : memref<1x10000xf32, #tpu.memory_space<hbm>> -> memref<10000xf32, #tpu.memory_space<hbm>>
    tpu.enqueue_dma source(%dma_start3A_25 : memref<10000xf32, #tpu.memory_space<hbm>>) target(%arg8 : memref<10000xf32, #tpu.memory_space<vmem>>) target_semaphore(%arg13 : memref<!tpu.dma_semaphore, #tpu.memory_space<semaphore_mem>>)
    %add3A_26 = arith.constant 3 : i32
    %add3A_27 = arith.addi %mul3A_2, %add3A_26 : i32
    %dma_start3A_28 = arith.constant 0 : i32
    %dma_start3A_29 = tpu.memref_slice %arg2[%add3A_27, %dma_start3A_28] : memref<2048x10000xf32, #tpu.memory_space<hbm>> -> memref<1x10000xf32, #tpu.memory_space<hbm>>
    %dma_start3A_30 = tpu.memref_squeeze %dma_start3A_29 : memref<1x10000xf32, #tpu.memory_space<hbm>> -> memref<10000xf32, #tpu.memory_space<hbm>>
    %dma_start3A_31 = arith.constant 0 : i32
    %dma_start3A_32 = tpu.memref_slice %arg2[%add3A_27, %dma_start3A_31] : memref<2048x10000xf32, #tpu.memory_space<hbm>> -> memref<1x10000xf32, #tpu.memory_space<hbm>>
    %dma_start3A_33 = tpu.memref_squeeze %dma_start3A_32 : memref<1x10000xf32, #tpu.memory_space<hbm>> -> memref<10000xf32, #tpu.memory_space<hbm>>
    tpu.enqueue_dma source(%dma_start3A_33 : memref<10000xf32, #tpu.memory_space<hbm>>) target(%arg9 : memref<10000xf32, #tpu.memory_space<vmem>>) target_semaphore(%arg14 : memref<!tpu.dma_semaphore, #tpu.memory_space<semaphore_mem>>)
    %scan3A = arith.constant 0 : i32
    %scan3A_34 = arith.constant 0 : i32
    %scan3A_35 = arith.constant 16 : i32
    %scan3A_36 = arith.addi %scan3A_34, %scan3A_35 : i32
    %scan3A_37 = arith.constant 1 : i32
    %scan3A_38 = scf.for %scan3A_42 = %scan3A_34 to %scan3A_36 step %scan3A_37 iter_args(%scan3A_43 = %scan3A) -> (i32)  : i32 {
      %mul3A_44 = arith.constant 4 : i32
      %mul3A_45 = arith.muli %mul3A_44, %scan3A_42 : i32
      %add3A_46 = arith.constant 0 : i32
      %add3A_47 = arith.addi %mul3A_45, %add3A_46 : i32
      %dma_wait3A = arith.constant 0 : i32
      %dma_wait3A_48 = tpu.memref_slice %arg2[%mul3A_2, %dma_wait3A] : memref<2048x10000xf32, #tpu.memory_space<hbm>> -> memref<1x10000xf32, #tpu.memory_space<hbm>>
      %dma_wait3A_49 = tpu.memref_squeeze %dma_wait3A_48 : memref<1x10000xf32, #tpu.memory_space<hbm>> -> memref<10000xf32, #tpu.memory_space<hbm>>
      %dma_wait3A_50 = arith.constant 0 : i32
      %dma_wait3A_51 = tpu.memref_slice %arg2[%mul3A_2, %dma_wait3A_50] : memref<2048x10000xf32, #tpu.memory_space<hbm>> -> memref<1x10000xf32, #tpu.memory_space<hbm>>
      %dma_wait3A_52 = tpu.memref_squeeze %dma_wait3A_51 : memref<1x10000xf32, #tpu.memory_space<hbm>> -> memref<10000xf32, #tpu.memory_space<hbm>>
      tpu.wait_dma2 semaphore(%arg11 : memref<!tpu.dma_semaphore, #tpu.memory_space<semaphore_mem>>) src(%dma_wait3A_52 : memref<10000xf32, #tpu.memory_space<hbm>>) dst(%arg6 : memref<10000xf32, #tpu.memory_space<vmem>>)
      %scan3A_53 = arith.constant 0 : i32
      %scan3A_54 = arith.constant 0 : i32
      %scan3A_55 = arith.constant 32 : i32
      %scan3A_56 = arith.addi %scan3A_54, %scan3A_55 : i32
      %scan3A_57 = arith.constant 1 : i32
      %scan3A_58 = scf.for %scan3A_137 = %scan3A_54 to %scan3A_56 step %scan3A_57 iter_args(%scan3A_138 = %scan3A_53) -> (i32)  : i32 {
        %mul3A_139 = arith.constant 16 : i32
        %mul3A_140 = arith.muli %scan3A_137, %mul3A_139 : i32
        %get3A = arith.index_cast %mul3A_140 : i32 to index
        %get3A_141 = tpu.vector_load %arg5[%get3A] {strides = array<i32>} : memref<512xi32, #tpu.memory_space<vmem>>, vector<16xi32>,
        %gather3A = tpu.vector_load_idx %arg6[%get3A_141] : memref<10000xf32, #tpu.memory_space<vmem>>[vector<16xi32>], vector<16xf32>,
        %mul3A_142 = arith.constant 512 : i32
        %mul3A_143 = arith.muli %add3A_47, %mul3A_142 : i32
        %mul3A_144 = arith.constant 16 : i32
        %mul3A_145 = arith.muli %scan3A_137, %mul3A_144 : i32
        %add3A_146 = arith.addi %mul3A_143, %mul3A_145 : i32
        %swap3A = arith.index_cast %add3A_146 : i32 to index
        %swap3A_147 = tpu.vector_load %arg10[%swap3A] {strides = array<i32>} : memref<32768xf32, #tpu.memory_space<vmem>>, vector<16xf32>,
        tpu.vector_store %arg10[%swap3A], %gather3A {strides = array<i32>} : memref<32768xf32, #tpu.memory_space<vmem>>, vector<16xf32>,
        %scan3A_148 = arith.constant 0 : i32
        scf.yield %scan3A_148 : i32
      }
      %scan3A_59 = arith.constant 32 : i32
      %add3A_60 = arith.constant 4 : i32
      %add3A_61 = arith.addi %add3A_47, %add3A_60 : i32
      %lt3A = arith.constant 64 : i32
      %lt3A_62 = arith.cmpi slt, %add3A_61, %lt3A : i32
      %convert_element_type3A = arith.extui %lt3A_62 : i1 to i32
      %cond3A = arith.constant 0 : i32
      %cond3A_63 = arith.cmpi ne, %convert_element_type3A, %cond3A : i32
      scf.if %cond3A_63 {
        %add3A_137 = arith.addi %mul3A_2, %add3A_47 : i32
        %add3A_138 = arith.constant 4 : i32
        %add3A_139 = arith.addi %add3A_137, %add3A_138 : i32
        %dma_start3A_140 = arith.constant 0 : i32
        %dma_start3A_141 = tpu.memref_slice %arg2[%add3A_139, %dma_start3A_140] : memref<2048x10000xf32, #tpu.memory_space<hbm>> -> memref<1x10000xf32, #tpu.memory_space<hbm>>
        %dma_start3A_142 = tpu.memref_squeeze %dma_start3A_141 : memref<1x10000xf32, #tpu.memory_space<hbm>> -> memref<10000xf32, #tpu.memory_space<hbm>>
        %dma_start3A_143 = arith.constant 0 : i32
        %dma_start3A_144 = tpu.memref_slice %arg2[%add3A_139, %dma_start3A_143] : memref<2048x10000xf32, #tpu.memory_space<hbm>> -> memref<1x10000xf32, #tpu.memory_space<hbm>>
        %dma_start3A_145 = tpu.memref_squeeze %dma_start3A_144 : memref<1x10000xf32, #tpu.memory_space<hbm>> -> memref<10000xf32, #tpu.memory_space<hbm>>
        tpu.enqueue_dma source(%dma_start3A_145 : memref<10000xf32, #tpu.memory_space<hbm>>) target(%arg6 : memref<10000xf32, #tpu.memory_space<vmem>>) target_semaphore(%arg11 : memref<!tpu.dma_semaphore, #tpu.memory_space<semaphore_mem>>)
      } else {
      }
      %mul3A_64 = arith.constant 4 : i32
      %mul3A_65 = arith.muli %mul3A_64, %scan3A_42 : i32
      %add3A_66 = arith.constant 1 : i32
      %add3A_67 = arith.addi %mul3A_65, %add3A_66 : i32
      %dma_wait3A_68 = arith.constant 0 : i32
      %dma_wait3A_69 = tpu.memref_slice %arg2[%mul3A_2, %dma_wait3A_68] : memref<2048x10000xf32, #tpu.memory_space<hbm>> -> memref<1x10000xf32, #tpu.memory_space<hbm>>
      %dma_wait3A_70 = tpu.memref_squeeze %dma_wait3A_69 : memref<1x10000xf32, #tpu.memory_space<hbm>> -> memref<10000xf32, #tpu.memory_space<hbm>>
      %dma_wait3A_71 = arith.constant 0 : i32
      %dma_wait3A_72 = tpu.memref_slice %arg2[%mul3A_2, %dma_wait3A_71] : memref<2048x10000xf32, #tpu.memory_space<hbm>> -> memref<1x10000xf32, #tpu.memory_space<hbm>>
      %dma_wait3A_73 = tpu.memref_squeeze %dma_wait3A_72 : memref<1x10000xf32, #tpu.memory_space<hbm>> -> memref<10000xf32, #tpu.memory_space<hbm>>
      tpu.wait_dma2 semaphore(%arg12 : memref<!tpu.dma_semaphore, #tpu.memory_space<semaphore_mem>>) src(%dma_wait3A_73 : memref<10000xf32, #tpu.memory_space<hbm>>) dst(%arg7 : memref<10000xf32, #tpu.memory_space<vmem>>)
      %scan3A_74 = arith.constant 0 : i32
      %scan3A_75 = arith.constant 0 : i32
      %scan3A_76 = arith.constant 32 : i32
      %scan3A_77 = arith.addi %scan3A_75, %scan3A_76 : i32
      %scan3A_78 = arith.constant 1 : i32
      %scan3A_79 = scf.for %scan3A_137 = %scan3A_75 to %scan3A_77 step %scan3A_78 iter_args(%scan3A_138 = %scan3A_74) -> (i32)  : i32 {
        %mul3A_139 = arith.constant 16 : i32
        %mul3A_140 = arith.muli %scan3A_137, %mul3A_139 : i32
        %get3A = arith.index_cast %mul3A_140 : i32 to index
        %get3A_141 = tpu.vector_load %arg5[%get3A] {strides = array<i32>} : memref<512xi32, #tpu.memory_space<vmem>>, vector<16xi32>,
        %gather3A = tpu.vector_load_idx %arg7[%get3A_141] : memref<10000xf32, #tpu.memory_space<vmem>>[vector<16xi32>], vector<16xf32>,
        %mul3A_142 = arith.constant 512 : i32
        %mul3A_143 = arith.muli %add3A_67, %mul3A_142 : i32
        %mul3A_144 = arith.constant 16 : i32
        %mul3A_145 = arith.muli %scan3A_137, %mul3A_144 : i32
        %add3A_146 = arith.addi %mul3A_143, %mul3A_145 : i32
        %swap3A = arith.index_cast %add3A_146 : i32 to index
        %swap3A_147 = tpu.vector_load %arg10[%swap3A] {strides = array<i32>} : memref<32768xf32, #tpu.memory_space<vmem>>, vector<16xf32>,
        tpu.vector_store %arg10[%swap3A], %gather3A {strides = array<i32>} : memref<32768xf32, #tpu.memory_space<vmem>>, vector<16xf32>,
        %scan3A_148 = arith.constant 0 : i32
        scf.yield %scan3A_148 : i32
      }
      %scan3A_80 = arith.constant 32 : i32
      %add3A_81 = arith.constant 4 : i32
      %add3A_82 = arith.addi %add3A_67, %add3A_81 : i32
      %lt3A_83 = arith.constant 64 : i32
      %lt3A_84 = arith.cmpi slt, %add3A_82, %lt3A_83 : i32
      %convert_element_type3A_85 = arith.extui %lt3A_84 : i1 to i32
      %cond3A_86 = arith.constant 0 : i32
      %cond3A_87 = arith.cmpi ne, %convert_element_type3A_85, %cond3A_86 : i32
      scf.if %cond3A_87 {
        %add3A_137 = arith.addi %mul3A_2, %add3A_67 : i32
        %add3A_138 = arith.constant 4 : i32
        %add3A_139 = arith.addi %add3A_137, %add3A_138 : i32
        %dma_start3A_140 = arith.constant 0 : i32
        %dma_start3A_141 = tpu.memref_slice %arg2[%add3A_139, %dma_start3A_140] : memref<2048x10000xf32, #tpu.memory_space<hbm>> -> memref<1x10000xf32, #tpu.memory_space<hbm>>
        %dma_start3A_142 = tpu.memref_squeeze %dma_start3A_141 : memref<1x10000xf32, #tpu.memory_space<hbm>> -> memref<10000xf32, #tpu.memory_space<hbm>>
        %dma_start3A_143 = arith.constant 0 : i32
        %dma_start3A_144 = tpu.memref_slice %arg2[%add3A_139, %dma_start3A_143] : memref<2048x10000xf32, #tpu.memory_space<hbm>> -> memref<1x10000xf32, #tpu.memory_space<hbm>>
        %dma_start3A_145 = tpu.memref_squeeze %dma_start3A_144 : memref<1x10000xf32, #tpu.memory_space<hbm>> -> memref<10000xf32, #tpu.memory_space<hbm>>
        tpu.enqueue_dma source(%dma_start3A_145 : memref<10000xf32, #tpu.memory_space<hbm>>) target(%arg7 : memref<10000xf32, #tpu.memory_space<vmem>>) target_semaphore(%arg12 : memref<!tpu.dma_semaphore, #tpu.memory_space<semaphore_mem>>)
      } else {
      }
      %mul3A_88 = arith.constant 4 : i32
      %mul3A_89 = arith.muli %mul3A_88, %scan3A_42 : i32
      %add3A_90 = arith.constant 2 : i32
      %add3A_91 = arith.addi %mul3A_89, %add3A_90 : i32
      %dma_wait3A_92 = arith.constant 0 : i32
      %dma_wait3A_93 = tpu.memref_slice %arg2[%mul3A_2, %dma_wait3A_92] : memref<2048x10000xf32, #tpu.memory_space<hbm>> -> memref<1x10000xf32, #tpu.memory_space<hbm>>
      %dma_wait3A_94 = tpu.memref_squeeze %dma_wait3A_93 : memref<1x10000xf32, #tpu.memory_space<hbm>> -> memref<10000xf32, #tpu.memory_space<hbm>>
      %dma_wait3A_95 = arith.constant 0 : i32
      %dma_wait3A_96 = tpu.memref_slice %arg2[%mul3A_2, %dma_wait3A_95] : memref<2048x10000xf32, #tpu.memory_space<hbm>> -> memref<1x10000xf32, #tpu.memory_space<hbm>>
      %dma_wait3A_97 = tpu.memref_squeeze %dma_wait3A_96 : memref<1x10000xf32, #tpu.memory_space<hbm>> -> memref<10000xf32, #tpu.memory_space<hbm>>
      tpu.wait_dma2 semaphore(%arg13 : memref<!tpu.dma_semaphore, #tpu.memory_space<semaphore_mem>>) src(%dma_wait3A_97 : memref<10000xf32, #tpu.memory_space<hbm>>) dst(%arg8 : memref<10000xf32, #tpu.memory_space<vmem>>)
      %scan3A_98 = arith.constant 0 : i32
      %scan3A_99 = arith.constant 0 : i32
      %scan3A_100 = arith.constant 32 : i32
      %scan3A_101 = arith.addi %scan3A_99, %scan3A_100 : i32
      %scan3A_102 = arith.constant 1 : i32
      %scan3A_103 = scf.for %scan3A_137 = %scan3A_99 to %scan3A_101 step %scan3A_102 iter_args(%scan3A_138 = %scan3A_98) -> (i32)  : i32 {
        %mul3A_139 = arith.constant 16 : i32
        %mul3A_140 = arith.muli %scan3A_137, %mul3A_139 : i32
        %get3A = arith.index_cast %mul3A_140 : i32 to index
        %get3A_141 = tpu.vector_load %arg5[%get3A] {strides = array<i32>} : memref<512xi32, #tpu.memory_space<vmem>>, vector<16xi32>,
        %gather3A = tpu.vector_load_idx %arg8[%get3A_141] : memref<10000xf32, #tpu.memory_space<vmem>>[vector<16xi32>], vector<16xf32>,
        %mul3A_142 = arith.constant 512 : i32
        %mul3A_143 = arith.muli %add3A_91, %mul3A_142 : i32
        %mul3A_144 = arith.constant 16 : i32
        %mul3A_145 = arith.muli %scan3A_137, %mul3A_144 : i32
        %add3A_146 = arith.addi %mul3A_143, %mul3A_145 : i32
        %swap3A = arith.index_cast %add3A_146 : i32 to index
        %swap3A_147 = tpu.vector_load %arg10[%swap3A] {strides = array<i32>} : memref<32768xf32, #tpu.memory_space<vmem>>, vector<16xf32>,
        tpu.vector_store %arg10[%swap3A], %gather3A {strides = array<i32>} : memref<32768xf32, #tpu.memory_space<vmem>>, vector<16xf32>,
        %scan3A_148 = arith.constant 0 : i32
        scf.yield %scan3A_148 : i32
      }
      %scan3A_104 = arith.constant 32 : i32
      %add3A_105 = arith.constant 4 : i32
      %add3A_106 = arith.addi %add3A_91, %add3A_105 : i32
      %lt3A_107 = arith.constant 64 : i32
      %lt3A_108 = arith.cmpi slt, %add3A_106, %lt3A_107 : i32
      %convert_element_type3A_109 = arith.extui %lt3A_108 : i1 to i32
      %cond3A_110 = arith.constant 0 : i32
      %cond3A_111 = arith.cmpi ne, %convert_element_type3A_109, %cond3A_110 : i32
      scf.if %cond3A_111 {
        %add3A_137 = arith.addi %mul3A_2, %add3A_91 : i32
        %add3A_138 = arith.constant 4 : i32
        %add3A_139 = arith.addi %add3A_137, %add3A_138 : i32
        %dma_start3A_140 = arith.constant 0 : i32
        %dma_start3A_141 = tpu.memref_slice %arg2[%add3A_139, %dma_start3A_140] : memref<2048x10000xf32, #tpu.memory_space<hbm>> -> memref<1x10000xf32, #tpu.memory_space<hbm>>
        %dma_start3A_142 = tpu.memref_squeeze %dma_start3A_141 : memref<1x10000xf32, #tpu.memory_space<hbm>> -> memref<10000xf32, #tpu.memory_space<hbm>>
        %dma_start3A_143 = arith.constant 0 : i32
        %dma_start3A_144 = tpu.memref_slice %arg2[%add3A_139, %dma_start3A_143] : memref<2048x10000xf32, #tpu.memory_space<hbm>> -> memref<1x10000xf32, #tpu.memory_space<hbm>>
        %dma_start3A_145 = tpu.memref_squeeze %dma_start3A_144 : memref<1x10000xf32, #tpu.memory_space<hbm>> -> memref<10000xf32, #tpu.memory_space<hbm>>
        tpu.enqueue_dma source(%dma_start3A_145 : memref<10000xf32, #tpu.memory_space<hbm>>) target(%arg8 : memref<10000xf32, #tpu.memory_space<vmem>>) target_semaphore(%arg13 : memref<!tpu.dma_semaphore, #tpu.memory_space<semaphore_mem>>)
      } else {
      }
      %mul3A_112 = arith.constant 4 : i32
      %mul3A_113 = arith.muli %mul3A_112, %scan3A_42 : i32
      %add3A_114 = arith.constant 3 : i32
      %add3A_115 = arith.addi %mul3A_113, %add3A_114 : i32
      %dma_wait3A_116 = arith.constant 0 : i32
      %dma_wait3A_117 = tpu.memref_slice %arg2[%mul3A_2, %dma_wait3A_116] : memref<2048x10000xf32, #tpu.memory_space<hbm>> -> memref<1x10000xf32, #tpu.memory_space<hbm>>
      %dma_wait3A_118 = tpu.memref_squeeze %dma_wait3A_117 : memref<1x10000xf32, #tpu.memory_space<hbm>> -> memref<10000xf32, #tpu.memory_space<hbm>>
      %dma_wait3A_119 = arith.constant 0 : i32
      %dma_wait3A_120 = tpu.memref_slice %arg2[%mul3A_2, %dma_wait3A_119] : memref<2048x10000xf32, #tpu.memory_space<hbm>> -> memref<1x10000xf32, #tpu.memory_space<hbm>>
      %dma_wait3A_121 = tpu.memref_squeeze %dma_wait3A_120 : memref<1x10000xf32, #tpu.memory_space<hbm>> -> memref<10000xf32, #tpu.memory_space<hbm>>
      tpu.wait_dma2 semaphore(%arg14 : memref<!tpu.dma_semaphore, #tpu.memory_space<semaphore_mem>>) src(%dma_wait3A_121 : memref<10000xf32, #tpu.memory_space<hbm>>) dst(%arg9 : memref<10000xf32, #tpu.memory_space<vmem>>)
      %scan3A_122 = arith.constant 0 : i32
      %scan3A_123 = arith.constant 0 : i32
      %scan3A_124 = arith.constant 32 : i32
      %scan3A_125 = arith.addi %scan3A_123, %scan3A_124 : i32
      %scan3A_126 = arith.constant 1 : i32
      %scan3A_127 = scf.for %scan3A_137 = %scan3A_123 to %scan3A_125 step %scan3A_126 iter_args(%scan3A_138 = %scan3A_122) -> (i32)  : i32 {
        %mul3A_139 = arith.constant 16 : i32
        %mul3A_140 = arith.muli %scan3A_137, %mul3A_139 : i32
        %get3A = arith.index_cast %mul3A_140 : i32 to index
        %get3A_141 = tpu.vector_load %arg5[%get3A] {strides = array<i32>} : memref<512xi32, #tpu.memory_space<vmem>>, vector<16xi32>,
        %gather3A = tpu.vector_load_idx %arg9[%get3A_141] : memref<10000xf32, #tpu.memory_space<vmem>>[vector<16xi32>], vector<16xf32>,
        %mul3A_142 = arith.constant 512 : i32
        %mul3A_143 = arith.muli %add3A_115, %mul3A_142 : i32
        %mul3A_144 = arith.constant 16 : i32
        %mul3A_145 = arith.muli %scan3A_137, %mul3A_144 : i32
        %add3A_146 = arith.addi %mul3A_143, %mul3A_145 : i32
        %swap3A = arith.index_cast %add3A_146 : i32 to index
        %swap3A_147 = tpu.vector_load %arg10[%swap3A] {strides = array<i32>} : memref<32768xf32, #tpu.memory_space<vmem>>, vector<16xf32>,
        tpu.vector_store %arg10[%swap3A], %gather3A {strides = array<i32>} : memref<32768xf32, #tpu.memory_space<vmem>>, vector<16xf32>,
        %scan3A_148 = arith.constant 0 : i32
        scf.yield %scan3A_148 : i32
      }
      %scan3A_128 = arith.constant 32 : i32
      %add3A_129 = arith.constant 4 : i32
      %add3A_130 = arith.addi %add3A_115, %add3A_129 : i32
      %lt3A_131 = arith.constant 64 : i32
      %lt3A_132 = arith.cmpi slt, %add3A_130, %lt3A_131 : i32
      %convert_element_type3A_133 = arith.extui %lt3A_132 : i1 to i32
      %cond3A_134 = arith.constant 0 : i32
      %cond3A_135 = arith.cmpi ne, %convert_element_type3A_133, %cond3A_134 : i32
      scf.if %cond3A_135 {
        %add3A_137 = arith.addi %mul3A_2, %add3A_115 : i32
        %add3A_138 = arith.constant 4 : i32
        %add3A_139 = arith.addi %add3A_137, %add3A_138 : i32
        %dma_start3A_140 = arith.constant 0 : i32
        %dma_start3A_141 = tpu.memref_slice %arg2[%add3A_139, %dma_start3A_140] : memref<2048x10000xf32, #tpu.memory_space<hbm>> -> memref<1x10000xf32, #tpu.memory_space<hbm>>
        %dma_start3A_142 = tpu.memref_squeeze %dma_start3A_141 : memref<1x10000xf32, #tpu.memory_space<hbm>> -> memref<10000xf32, #tpu.memory_space<hbm>>
        %dma_start3A_143 = arith.constant 0 : i32
        %dma_start3A_144 = tpu.memref_slice %arg2[%add3A_139, %dma_start3A_143] : memref<2048x10000xf32, #tpu.memory_space<hbm>> -> memref<1x10000xf32, #tpu.memory_space<hbm>>
        %dma_start3A_145 = tpu.memref_squeeze %dma_start3A_144 : memref<1x10000xf32, #tpu.memory_space<hbm>> -> memref<10000xf32, #tpu.memory_space<hbm>>
        tpu.enqueue_dma source(%dma_start3A_145 : memref<10000xf32, #tpu.memory_space<hbm>>) target(%arg9 : memref<10000xf32, #tpu.memory_space<vmem>>) target_semaphore(%arg14 : memref<!tpu.dma_semaphore, #tpu.memory_space<semaphore_mem>>)
      } else {
      }
      %scan3A_136 = arith.constant 0 : i32
      scf.yield %scan3A_136 : i32
    }
    %scan3A_39 = arith.constant 16 : i32
    %mul3A_40 = arith.constant 32768 : i32
    %mul3A_41 = arith.muli %add3A, %mul3A_40 : i32
    "tpu.region"() ({
      %run_scoped3A = tpu.sem_alloc : memref<!tpu.dma_semaphore, #tpu.memory_space<semaphore_mem>>
      %dma_start3A_42 = tpu.memref_slice %arg4[%mul3A_41] : memref<1048576xf32, #tpu.memory_space<hbm>> -> memref<32768xf32, #tpu.memory_space<hbm>>
      %dma_start3A_43 = tpu.memref_slice %arg4[%mul3A_41] : memref<1048576xf32, #tpu.memory_space<hbm>> -> memref<32768xf32, #tpu.memory_space<hbm>>
      tpu.enqueue_dma source(%arg10 : memref<32768xf32, #tpu.memory_space<vmem>>) target(%dma_start3A_43 : memref<32768xf32, #tpu.memory_space<hbm>>) target_semaphore(%run_scoped3A : memref<!tpu.dma_semaphore, #tpu.memory_space<semaphore_mem>>)
      %dma_wait3A = tpu.memref_slice %arg4[%mul3A_41] : memref<1048576xf32, #tpu.memory_space<hbm>> -> memref<32768xf32, #tpu.memory_space<hbm>>
      %dma_wait3A_44 = tpu.memref_slice %arg4[%mul3A_41] : memref<1048576xf32, #tpu.memory_space<hbm>> -> memref<32768xf32, #tpu.memory_space<hbm>>
      tpu.wait_dma2 semaphore(%run_scoped3A : memref<!tpu.dma_semaphore, #tpu.memory_space<semaphore_mem>>) src(%arg10 : memref<32768xf32, #tpu.memory_space<vmem>>) dst(%dma_wait3A_44 : memref<32768xf32, #tpu.memory_space<hbm>>)
      tpu.yield
    }) : () -> ()
    return
  }
}

module attributes {stable_mosaic.version = 14 : i64} {
  func.func @_combine_body(%arg0: memref<2048x512xf32, #tpu.memory_space<vmem>>, %arg1: memref<2048x1xf32, #tpu.memory_space<vmem>>, %arg2: memref<2048x1xf32, #tpu.memory_space<vmem>>, %arg3: memref<1x512xi32, #tpu.memory_space<vmem>>, %arg4: memref<1x512xf32, #tpu.memory_space<vmem>>) attributes {dimension_semantics = [], scalar_prefetch = 0 : i64, scratch_operands = 0 : i64, tpu.core_type = #tpu.core_type<tc>} {
    %get3A = arith.constant 0 : index
    %get3A_0 = arith.constant 0 : index
    %get3A_1 = vector.load %arg0[%get3A, %get3A_0] : memref<2048x512xf32, #tpu.memory_space<vmem>>, vector<2048x512xf32>
    %get3A_2 = arith.constant 0 : index
    %get3A_3 = arith.constant 0 : index
    %get3A_4 = vector.load %arg1[%get3A_2, %get3A_3] : memref<2048x1xf32, #tpu.memory_space<vmem>>, vector<2048x1xf32>
    %add3A = vector.broadcast %get3A_4 : vector<2048x1xf32> to vector<2048x512xf32>
    %add3A_5 = arith.addf %get3A_1, %add3A : vector<2048x512xf32>
    %reduce_max3A = arith.constant dense<0xFF800000> : vector<512xf32>
    %reduce_max3A_6 = vector.multi_reduction <maximumf>, %add3A_5, %reduce_max3A [0] : vector<2048x512xf32> to vector<512xf32>
    %broadcast_in_dim3A = vector.shape_cast %reduce_max3A_6 : vector<512xf32> to vector<1x512xf32>
    %sub3A = vector.broadcast %broadcast_in_dim3A : vector<1x512xf32> to vector<2048x512xf32>
    %sub3A_7 = arith.subf %add3A_5, %sub3A : vector<2048x512xf32>
    %exp3A = math.exp %sub3A_7 : vector<2048x512xf32>
    %reduce_sum3A = arith.constant dense<0.000000e+00> : vector<512xf32>
    %reduce_sum3A_8 = vector.multi_reduction <add>, %exp3A, %reduce_sum3A [0] : vector<2048x512xf32> to vector<512xf32>
    %broadcast_in_dim3A_9 = vector.shape_cast %reduce_sum3A_8 : vector<512xf32> to vector<1x512xf32>
    %log3A = math.log %broadcast_in_dim3A_9 : vector<1x512xf32>
    %add3A_10 = arith.addf %broadcast_in_dim3A, %log3A : vector<1x512xf32>
    %get3A_11 = arith.constant 2047 : index
    %get3A_12 = arith.constant 0 : index
    %get3A_13 = vector.load %arg2[%get3A_11, %get3A_12] : memref<2048x1xf32, #tpu.memory_space<vmem>>, vector<1x1xf32>
    %get3A_14 = vector.extract %get3A_13[0, 0] : f32 from vector<1x1xf32>
    %get3A_15 = arith.constant 0 : index
    %get3A_16 = arith.constant 0 : index
    %get3A_17 = vector.load %arg3[%get3A_15, %get3A_16] : memref<1x512xi32, #tpu.memory_space<vmem>>, vector<1x512xi32>
    %eq3A = arith.constant 1 : i32
    %eq3A_18 = vector.broadcast %eq3A : i32 to vector<1x512xi32>
    %eq3A_19 = arith.cmpi eq, %get3A_17, %eq3A_18 : vector<1x512xi32>
    %broadcast_in_dim3A_20 = vector.broadcast %get3A_14 : f32 to vector<1x512xf32>
    %select_n3A = arith.select %eq3A_19, %broadcast_in_dim3A_20, %add3A_10 : vector<1x512xi1>, vector<1x512xf32>
    %swap3A = arith.constant 0 : index
    %swap3A_21 = arith.constant 0 : index
    %swap3A_22 = vector.load %arg4[%swap3A, %swap3A_21] : memref<1x512xf32, #tpu.memory_space<vmem>>, vector<1x512xf32>
    tpu.vector_store %arg4[%swap3A, %swap3A_21], %select_n3A {strides = array<i32>} : memref<1x512xf32, #tpu.memory_space<vmem>>, vector<1x512xf32>,
    return
  }
}

module attributes {stable_mosaic.version = 14 : i64} {
  func.func @_row_stats_body(%arg0: i32, %arg1: memref<256x10000xf32, #tpu.memory_space<vmem>>, %arg2: memref<2048x1xf32, #tpu.memory_space<vmem>>, %arg3: memref<2048x1xf32, #tpu.memory_space<vmem>>, %arg4: memref<1xf32, #tpu.memory_space<smem>>) attributes {dimension_semantics = [#tpu.dimension_semantics<arbitrary>], iteration_bounds = array<i64: 8>, scalar_prefetch = 0 : i64, scratch_operands = 1 : i64, tpu.core_type = #tpu.core_type<tc>, window_params = [{transform_indices = @transform_0, window_bounds = array<i64: 256, 10000>}, {pipeline_mode = #tpu.pipeline_mode<synchronous>, transform_indices = @transform_1, window_bounds = array<i64: 2048, 1>}, {pipeline_mode = #tpu.pipeline_mode<synchronous>, transform_indices = @transform_2, window_bounds = array<i64: 2048, 1>}]} {
    %eq3A = arith.constant 0 : i32
    %eq3A_0 = arith.cmpi eq, %arg0, %eq3A : i32
    %convert_element_type3A = arith.extui %eq3A_0 : i1 to i32
    %cond3A = arith.constant 0 : i32
    %cond3A_1 = arith.cmpi ne, %convert_element_type3A, %cond3A : i32
    scf.if %cond3A_1 {
      %swap3A_43 = arith.constant 0.000000e+00 : f32
      %swap3A_44 = arith.constant 0 : index
      %swap3A_45 = memref.load %arg4[%swap3A_44] : memref<1xf32, #tpu.memory_space<smem>>
      memref.store %swap3A_43, %arg4[%swap3A_44] : memref<1xf32, #tpu.memory_space<smem>>
    } else {
    }
    %get3A = arith.constant 0 : index
    %get3A_2 = arith.constant 0 : index
    %get3A_3 = vector.load %arg1[%get3A, %get3A_2] : memref<256x10000xf32, #tpu.memory_space<vmem>>, vector<256x10000xf32>
    %reduce_max3A = arith.constant dense<0xFF800000> : vector<256xf32>
    %reduce_max3A_4 = vector.multi_reduction <maximumf>, %get3A_3, %reduce_max3A [1] : vector<256x10000xf32> to vector<256xf32>
    %broadcast_in_dim3A = vector.shape_cast %reduce_max3A_4 : vector<256xf32> to vector<256x1xf32>
    %sub3A = vector.broadcast %broadcast_in_dim3A : vector<256x1xf32> to vector<256x10000xf32>
    %sub3A_5 = arith.subf %get3A_3, %sub3A : vector<256x10000xf32>
    %exp3A = math.exp %sub3A_5 : vector<256x10000xf32>
    %reduce_sum3A = arith.constant dense<0.000000e+00> : vector<256xf32>
    %reduce_sum3A_6 = vector.multi_reduction <add>, %exp3A, %reduce_sum3A [1] : vector<256x10000xf32> to vector<256xf32>
    %broadcast_in_dim3A_7 = vector.shape_cast %reduce_sum3A_6 : vector<256xf32> to vector<256x1xf32>
    %log3A = math.log %broadcast_in_dim3A_7 : vector<256x1xf32>
    %add3A = arith.addf %broadcast_in_dim3A, %log3A : vector<256x1xf32>
    %slice3A = vector.extract_strided_slice %get3A_3 {offsets = [0, 9999], sizes = [256, 1], strides = [1, 1]} : vector<256x10000xf32> to vector<256x1xf32>
    %sub3A_8 = arith.subf %slice3A, %add3A : vector<256x1xf32>
    %iota3A = tpu.iota {dimensions = array<i32: 0>} : vector<256x256xi32>
    %iota3A_9 = tpu.iota {dimensions = array<i32: 1>} : vector<256x256xi32>
    %gt3A = arith.cmpi sgt, %iota3A, %iota3A_9 : vector<256x256xi32>
    %convert_element_type3A_10 = arith.extui %gt3A : vector<256x256xi1> to vector<256x256xi32>
    %convert_element_type3A_11 = arith.sitofp %convert_element_type3A_10 : vector<256x256xi32> to vector<256x256xf32>
    %dot_general3A = arith.constant dense<0.000000e+00> : vector<256x1xf32>
    %dot_general3A_12 = tpu.matmul %convert_element_type3A_11, %sub3A_8, %dot_general3A {dimension_numbers = #tpu.dot_dimension_numbers<[1], [0], [0], [1], [0, 0, 1, 1], [], []>, transpose_lhs_hint = false} : vector<256x256xf32>, vector<256x1xf32>, vector<256x1xf32> -> vector<256x1xf32>
    %get3A_13 = arith.constant 0 : index
    %get3A_14 = memref.load %arg4[%get3A_13] : memref<1xf32, #tpu.memory_space<smem>>
    %add3A_15 = vector.broadcast %get3A_14 : f32 to vector<256x1xf32>
    %add3A_16 = arith.addf %dot_general3A_12, %add3A_15 : vector<256x1xf32>
    %reduce_sum3A_17 = vector.shape_cast %sub3A_8 : vector<256x1xf32> to vector<1x256x1xf32>
    %reduce_sum3A_18 = arith.constant dense<0.000000e+00> : vector<1xf32>
    %reduce_sum3A_19 = vector.multi_reduction <add>, %reduce_sum3A_17, %reduce_sum3A_18 [1, 2] : vector<1x256x1xf32> to vector<1xf32>
    %reduce_sum3A_20 = vector.shape_cast %reduce_sum3A_19 : vector<1xf32> to vector<1x1x1xf32>
    %reduce_sum3A_21 = vector.extract %reduce_sum3A_20[0, 0, 0] : f32 from vector<1x1x1xf32>
    %add3A_22 = arith.addf %get3A_14, %reduce_sum3A_21 : f32
    %swap3A = arith.constant 0 : index
    %swap3A_23 = memref.load %arg4[%swap3A] : memref<1xf32, #tpu.memory_space<smem>>
    memref.store %add3A_22, %arg4[%swap3A] : memref<1xf32, #tpu.memory_space<smem>>
    %mul3A = arith.constant 256 : i32
    %mul3A_24 = arith.muli %arg0, %mul3A : i32
    %iota3A_25 = tpu.iota {dimensions = array<i32: 0>} : vector<256x1xi32>
    %add3A_26 = vector.broadcast %mul3A_24 : i32 to vector<256x1xi32>
    %add3A_27 = arith.addi %add3A_26, %iota3A_25 : vector<256x1xi32>
    %ge3A = arith.constant 9 : i32
    %ge3A_28 = vector.broadcast %ge3A : i32 to vector<256x1xi32>
    %ge3A_29 = arith.cmpi sge, %add3A_27, %ge3A_28 : vector<256x1xi32>
    %sub3A_30 = arith.subf %add3A_16, %add3A : vector<256x1xf32>
    %jit3A = arith.constant -1.000000e+10 : f32
    %broadcast_in_dim3A_31 = vector.broadcast %jit3A : f32 to vector<256x1xf32>
    %select_n3A = arith.select %ge3A_29, %sub3A_30, %broadcast_in_dim3A_31 : vector<256x1xi1>, vector<256x1xf32>
    %mul3A_32 = arith.constant 256 : i32
    %mul3A_33 = arith.muli %arg0, %mul3A_32 : i32
    %swap3A_34 = arith.index_cast %mul3A_33 : i32 to index
    %swap3A_35 = arith.constant 0 : index
    %swap3A_36 = vector.load %arg2[%swap3A_34, %swap3A_35] : memref<2048x1xf32, #tpu.memory_space<vmem>>, vector<256x1xf32>
    tpu.vector_store %arg2[%swap3A_34, %swap3A_35], %select_n3A {strides = array<i32>} : memref<2048x1xf32, #tpu.memory_space<vmem>>, vector<256x1xf32>,
    %add3A_37 = arith.addf %add3A_16, %sub3A_8 : vector<256x1xf32>
    %mul3A_38 = arith.constant 256 : i32
    %mul3A_39 = arith.muli %arg0, %mul3A_38 : i32
    %swap3A_40 = arith.index_cast %mul3A_39 : i32 to index
    %swap3A_41 = arith.constant 0 : index
    %swap3A_42 = vector.load %arg3[%swap3A_40, %swap3A_41] : memref<2048x1xf32, #tpu.memory_space<vmem>>, vector<256x1xf32>
    tpu.vector_store %arg3[%swap3A_40, %swap3A_41], %add3A_37 {strides = array<i32>} : memref<2048x1xf32, #tpu.memory_space<vmem>>, vector<256x1xf32>,
    return
  }
  func.func @transform_0(%arg0: i32) -> (i32, i32) {
    %c0_i32 = arith.constant 0 : i32
    %c0_i32_0 = arith.constant 0 : i32
    return %arg0, %c0_i32 : i32, i32
  }
  func.func @transform_1(%arg0: i32) -> (i32, i32) {
    %c0_i32 = arith.constant 0 : i32
    %c0_i32_0 = arith.constant 0 : i32
    %c0_i32_1 = arith.constant 0 : i32
    return %c0_i32, %c0_i32_0 : i32, i32
  }
  func.func @transform_2(%arg0: i32) -> (i32, i32) {
    %c0_i32 = arith.constant 0 : i32
    %c0_i32_0 = arith.constant 0 : i32
    %c0_i32_1 = arith.constant 0 : i32
    return %c0_i32, %c0_i32_0 : i32, i32
  }
}

</mosaic_0001>

<sc_bundles>
// kernel: kernel.5.cloned.1.call-start
scs
__scs_entry_jumppad:
0x0: {  	(pc) =	sbr.rel $0x88, $3  }
0x1: {  	(tag) =	ssettag $0x0;
	lr =	simm.s32 $0x1  }
0x2: {  	[smem:$0x3F9F] =	sst lr;
	_ =	strace $0xD0000000  }
0x3: {  	_ = 	snop  }
0x4: {  	_ = 	snop  }
0x5: {  	_ = 	snop  }
0x6: {  	_ = 	snop  }
0x7: {  	_ = 	snop  }
__scs_overlays_trampoline_lowered:
0x8: {  	[smem:$0x3FAE] =	sst s0  }
0x9: {  	[smem:$0x3FAF] =	sst s1  }
0xa: {  	[smem:$0x3FB0] =	sst s2  }
0xb: {  	[smem:$0x3FB1] =	sst s3  }
0xc: {  	[smem:$0x3FB2] =	sst s4  }
0xd: {  	[smem:$0x3FB3] =	sst s5  }
0xe: {  	[smem:$0x3FB4] =	sst s6  }
0xf: {  	[smem:$0x3FB5] =	sst s7  }
0x10: {  	[smem:$0x3FB6] =	sst s8  }
0x11: {  	[smem:$0x3FB7] =	sst s9;
	s0 =	simm.s32 @!p0 $0x0  }
0x12: {  	s1 =	sld [smem:$0x3F9D];
	s0 =	simm.s32 @p0 $0x1  }
0x13: {  	[smem:$0x3FB8] =	sst s0;
	s0 =	simm.s32 @!p1 $0x0  }
0x14: {  	s2 =	sld [smem:$0x3F9C];
	s0 =	simm.s32 @p1 $0x1  }
0x15: {  	[smem:$0x3FB9] =	sst s0;
	s0 =	simm.s32 @!p2 $0x0  }
0x16: {  	s3 =	sld [smem:$0x3FDB];
	s0 =	simm.s32 @p2 $0x1  }
0x17: {  	s4 =	simm.s32 $0x1BF5;
	[smem:$0x3FBB] =	sst s0  }
0x18: {  	s0 =	sld [smem:$0x3F9E];
	_ =	swait.ge [sflag:s4], $0x0  }
0x19: {  	s7 =	sld [smem:$0x3F9F]  }
0x1a: {  	s8 =	sadd.s32 $0xFFFFE003, lr  }
0x1b: {  	s9 =	sadd.s32 $0xFFFFFEF7, lr;
	s5 =	simm.s32 $0xFFFFFFFF;
	p2 =	slt.u32 s8, $0xFFFFF086  }
0x1c: {  	p1 =	slt.u32 s9, $0xF7A;
	s5 =	simm.s32 @!p2 $0x0  }
0x1d: {  	s5 =	simm.s32 @p1 $0x1;
	p0 =	seq.s32 s7, s2  }
0x1e: {  	s7 =	smul.u32 @!p0 $0xF7A, s2;
	p2 =	seq.s32 @!p0 s5, $0x0  }
0x1f: {  	s9 =	smul.u32 $0xF7A, s1;
	s8 =	simm.s32 @!p0 $0x1BF5;
	p2 =	por !p2, p0  }
0x20: {  	[sflag:s8] =	ssyncset.s32 @!p0 $0xFFFFF086;
	s6 =	sadd.s32 @!p0 s3, s7;
	s7 =	simm.s32 @!p0 $0x108  }
0x21: {  	s3 =	sadd.s32 s3, s9;
	s6 =	sadd.s32 @!p0 $0x88, s6;
	s7 =	simm.s32 @p2 $0x1082  }
0x22: {  	[simem:s7], [sflag:s8] =	dma.local @!p0 [hbm:s6], $0xF7A  }
0x23: {  	s9 =	sor.u32 $0xD0000000, s2;
	s6 =	simm.s32 $0x108;
	_ =	swait.ge @!p0 [sflag:s8], $0x0  }
0x24: {  	s3 =	sadd.s32 $0x88, s3;
	s6 =	simm.s32 @!p1 $0x1082;
	[sflag:s4] =	ssyncset.s32 $0xFFFFF086  }
0x25: {  	[simem:s6], [sflag:s4] =	dma.local [hbm:s3], $0xF7A  }
0x26: {  	[smem:$0x3F9F] =	sst s1;
	(tag) =	ssettag s2;
	_ =	strace s9  }
0x27: {  	s1 =	sld [smem:$0x3FAF]  }
0x28: {  	s2 =	sld [smem:$0x3FB0]  }
0x29: {  	s4 =	sld [smem:$0x3FB2]  }
0x2a: {  	p0 =	seq.s32 s5, $0x0;
	s5 =	sld [smem:$0x3FB3]  }
0x2b: {  	s6 =	sld [smem:$0x3FB4]  }
0x2c: {  	s7 =	sld [smem:$0x3FB5]  }
0x2d: {  	s3 =	simm.s32 $0x108;
	s8 =	sld [smem:$0x3FB6]  }
0x2e: {  	s3 =	simm.s32 @!p0 $0x1082;
	s9 =	sld [smem:$0x3FB7]  }
0x2f: {  	lr =	sadd.s32 s0, s3;
	s0 =	sld [smem:$0x3FAE]  }
0x30: {  	s3 =	sld [smem:$0x3FB1]  }
0x31: {  	[smem:$0x3FBA] =	sst s10  }
0x32: {  	s10 =	sld [smem:$0x3FB8];
	_ =	sdelay $0x3  }
0x33: {  	p0 =	seq.s32 s10, $0x1;
	s10 =	sld [smem:$0x3FBA];
	_ =	sdelay $0x3  }
0x34: {  	[smem:$0x3FBA] =	sst s10  }
0x35: {  	s10 =	sld [smem:$0x3FB9];
	_ =	sdelay $0x3  }
0x36: {  	p1 =	seq.s32 s10, $0x1;
	s10 =	sld [smem:$0x3FBA];
	_ =	sdelay $0x3  }
0x37: {  	[smem:$0x3FBA] =	sst s10  }
0x38: {  	s10 =	sld [smem:$0x3FBB]  }
0x39: {  	_ = 	snop;
	(pc) =	sbr.ind lr, $3  }
0x3a: {  	_ = 	snop  }
0x3b: {  	_ = 	snop  }
0x3c: {  	p2 =	seq.s32 s10, $0x1;
	s10 =	sld [smem:$0x3FBA]  }
0x3d: {  	_ =	shalt  }
0x3e: {  	_ =	shalt  }
0x3f: {  	_ =	shalt  }
0x40: {  	_ =	shalt  }
0x41: {  	_ =	shalt  }
0x42: {  	_ =	shalt  }
0x43: {  	_ =	shalt  }
0x44: {  	_ =	shalt  }
0x45: {  	_ =	shalt  }
0x46: {  	_ =	shalt  }
0x47: {  	_ =	shalt  }
0x48: {  	_ =	shalt  }
0x49: {  	_ =	shalt  }
0x4a: {  	_ =	shalt  }
0x4b: {  	_ =	shalt  }
0x4c: {  	_ =	shalt  }
0x4d: {  	_ =	shalt  }
0x4e: {  	_ =	shalt  }
0x4f: {  	_ =	shalt  }
0x50: {  	_ =	shalt  }
0x51: {  	_ =	shalt  }
0x52: {  	_ =	shalt  }
0x53: {  	_ =	shalt  }
0x54: {  	_ =	shalt  }
0x55: {  	_ =	shalt  }
0x56: {  	_ =	shalt  }
0x57: {  	_ =	shalt  }
0x58: {  	_ =	shalt  }
0x59: {  	_ =	shalt  }
0x5a: {  	_ =	shalt  }
0x5b: {  	_ =	shalt  }
0x5c: {  	_ =	shalt  }
0x5d: {  	_ =	shalt  }
0x5e: {  	_ =	shalt  }
0x5f: {  	_ =	shalt  }
0x60: {  	_ =	shalt  }
0x61: {  	_ =	shalt  }
0x62: {  	_ =	shalt  }
0x63: {  	_ =	shalt  }
0x64: {  	_ =	shalt  }
0x65: {  	_ =	shalt  }
0x66: {  	_ =	shalt  }
0x67: {  	_ =	shalt  }
0x68: {  	_ =	shalt  }
0x69: {  	_ =	shalt  }
0x6a: {  	_ =	shalt  }
0x6b: {  	_ =	shalt  }
0x6c: {  	_ =	shalt  }
0x6d: {  	_ =	shalt  }
0x6e: {  	_ =	shalt  }
0x6f: {  	_ =	shalt  }
0x70: {  	_ =	shalt  }
0x71: {  	_ =	shalt  }
0x72: {  	_ =	shalt  }
0x73: {  	_ =	shalt  }
0x74: {  	_ =	shalt  }
0x75: {  	_ =	shalt  }
0x76: {  	_ =	shalt  }
0x77: {  	_ =	shalt  }
0x78: {  	_ =	shalt  }
0x79: {  	_ =	shalt  }
0x7a: {  	_ =	shalt  }
0x7b: {  	_ =	shalt  }
0x7c: {  	_ =	shalt  }
0x7d: {  	_ =	shalt  }
0x7e: {  	_ =	shalt  }
0x7f: {  	_ =	shalt  }
0x80: {  	_ =	shalt  }
0x81: {  	_ =	shalt  }
0x82: {  	_ =	shalt  }
0x83: {  	_ =	shalt  }
0x84: {  	_ =	shalt  }
0x85: {  	_ =	shalt  }
0x86: {  	_ =	shalt  }
0x87: {  	_ =	shalt  }
.Lfunc_end0:
.L_simem_size_0:
called_computation_lowered:
.L_overlay_start_0:
0x88: {  	s2 =	sld [smem:$0x3FD9]  }
0x89: {  	s3 =	sld [smem:$0x3FFE];
	_ =	sdelay $0x1  }
0x8a: {  	s1 =	srdreg.scid  }
0x8b: {  	s0 =	sand.u32 $0x1, s1  }
0x8c: {  	s17 =	sshll.u32 s0, $0xA;
	s2 =	sadd.s32 s3, s2  }
0x8d: {  	s2 =	sadd.s32 s2, s17  }
0x8e: {  	[smem:$0x3FC6] =	sst s2  }
0x8f: {  	_ = 	snop  }
0x90: {  	s2 =	sld [smem:$0x3FC8];
	(tm) =	ssettm $0x1  }
0x91: {  	s18 =	sld [smem:$0x3FFB];
	_ =	sdelay $0x3  }
0x92: {  	_ =	strace s18  }
0x93: {  	s3 =	sld [smem:$0x3FFC];
	_ =	sdelay $0x3  }
0x94: {  	_ =	strace s3  }
0x95: {  	s3 =	sld [smem:$0x3FFD];
	_ =	sdelay $0x3  }
0x96: {  	_ =	strace s3  }
0x97: {  	_ =	strace $0x8FFFFFFF  }
0x98: {  	s19 =	sld [smem:$0x3FDB];
	_ =	sdelay $0x1  }
0x99: {  	s4 =	simm.s32 $_scs_section_size  }
0x9a: {  	s5 =	simm.s32 $_size__tile_overlayer_lowered;
	s6 =	simm.s32 $_tile_overlayer_lowered  }
0x9b: {  	s22 =	simm.s32 $0x1BFF;
	s21 =	sshll.u32 s6, $0x1;
	s3 =	sadd.s32 s4, s19  }
0x9c: {  	s7 =	simm.s32 $0x0;
	s20 =	sshll.u32 s5, $0x1;
	s5 =	sadd.s32 s21, s3  }
0x9d: {  	[timem:s7], [sflag:s22] =	dma.local [hbm:s5], s20  }
0x9e: {  	_ =	swait.ge [sflag:s22], s20  }
0x9f: {  	s4 =	ssub.s32 $0x0, s20;
	[sflag:s22] =	ssyncset.done $0x0  }
0xa0: {  	[sflag:s22] =	ssyncadd.s32 s4;
	_ =	sdelay $0x1  }
0xa1: {  	s23 =	simm.s32 $0x1B8B  }
0xa2: {  	_ =	swait.ge [sflag:s23], $0x1  }
0xa3: {  	[sflag:s23] =	ssyncset.done $0x0  }
0xa4: {  	s25 =	simm.s32 $0x1B8E;
	s24 =	sld [smem:$0x3FFE];
	[sflag:s23] =	ssyncadd.s32 $0xFFFFFFFF  }
0xa5: {  	s26 =	simm.s32 $execute0_lowered;
	[smem:$0x3FD2] =	sst s25  }
0xa6: {  	s5 =	sshll.u32 s26, $0x1;
	_ =	strace $0x80000046;
	[dreg:$0x1] =	wrdreg $0xFFFFFFFF  }
0xa7: {  	s28 =	simm.s32 $_size_execute0_lowered;
	s3 =	sadd.s32 s3, s5;
	[dreg:$0x0] =	wrdreg $0x0  }
0xa8: {  	s5 =	sshll.u32 s28, $0x1;
	[dreg:$0x2] =	wrdreg s3  }
0xa9: {  	[dreg:$0x3] =	wrdreg s5  }
0xaa: {  	[dreg:$0x4] =	wrdreg $0xC0  }
0xab: {  	_ =	task [dreg:s7], $0x5FFFF  }
0xac: {  	[dreg:$0x1] =	wrdreg $0xFFFFFFFF  }
0xad: {  	[dreg:$0x0] =	wrdreg $0x60  }
0xae: {  	[dreg:$0x2] =	wrdreg s24  }
0xaf: {  	[dreg:$0x3] =	wrdreg s2  }
0xb0: {  	[dreg:$0x4] =	wrdreg $0x9  }
0xb1: {  	_ =	task.clear_ibuf [dreg:s7], $0x5FFFF;
	_ =	strace $0x90000046  }
0xb2: {  	s29 =	simm.s32 $0x9;
	_ =	strace $0x80000048  }
0xb3: {  	_ =	swait.ge [sflag:s29], $0x1  }
0xb4: {  	[sflag:s29] =	ssyncadd.s32 $0xFFFFFFFF  }
0xb5: {  	_ =	strace $0x90000048  }
0xb6: {  	_ =	sfence  }
0xb7: {  	s30 =	sld [smem:$0x0];
	_ =	sdelay $0x2  }
0xb8: {  	s31 =	sshll.u32 s1, $0xD;
	s1 =	sshrl.u32 s1, $0x2  }
0xb9: {  	s3 =	sand.u32 $0x4000, s31;
	s1 =	sadd.s32 s1, s30  }
0xba: {  	s0 =	sor.u32 s3, s0;
	s1 =	sshll.u32 s1, $0x11  }
0xbb: {  	s0 =	sor.u32 s1, s0  }
0xbc: {  	s0 =	sadd.s32 $0x8F2B, s0  }
0xbd: {  	[sflag:s0] =	ssyncadd.remote.s32 $0x1  }
0xbe: {  	_ =	sfence.sel $0xFFFF  }
0xbf: {  	[dreg:$0x0] =	wrdreg $0xFFFFFFFF;
	(pc) =	sbr.abs _section_cstart, $3  }
0xc0: {  	[dreg:$0x1] =	wrdreg $0xFFFFFFFF  }
0xc1: {  	_ =	task.clear_ibuf [dreg:s7], $0x2FFFF;
	_ =	strace $0x9FFFFFFF  }
0xc2: {  	(tm) =	ssettm $0x7FFFFFFF  }
0xc3: {  	_ =	shalt  }
tec
execute0_lowered:
.L_overlay_start_1:
0x0: {  	(tag) =	ssettag $0x1  }
0x1: {  	s0 =	rddreg [dreg:$0x0]  }
0x2: {  	s3 =	simm.s32 $0x0;
	s4 =	srdreg.scid;
	s1 =	stileid.u32  }
0x3: {  	s12 =	simm.s32 $0x5;
	s13 =	simm.s32 $0x80;
	s14 =	simm.s32 $0x400  }
0x4: {  	s15 =	simm.s32 $0x200;
	s16 =	simm.s32 $0x2980;
	s17 =	simm.s32 $0x5100  }
0x5: {  	s18 =	simm.s32 $0x7880;
	s19 =	simm.s32 $0x1;
	s20 =	simm.s32 $0x2  }
0x6: {  	s21 =	simm.s32 $0x3;
	s22 =	simm.s32 $0x4;
	s23 =	simm.s32 $0xA000  }
0x7: {  	[smem:$0x7FF] =	sst s3;
	s4 =	sand.u32 $0x1, s4;
	s5 =	sshll.u32 s1, $0x1  }
0x8: {  	s24 =	simm.s32 $0x0;
	_ =	strace $0x80000047;
	s5 =	sor.u32 s4, s5  }
.Ltmp0:
0x9: {  	s7 =	ssub.s32 $0x2, s4;
	s4 =	sadd.s32 $0x400, s0;
	(pc) =	sbr.rel .LBB2_1-.Ltmp0, $4  }
0xa: {  	s6 =	sshll.u32 s5, $0xC;
	s8 =	smul.u32 $0x13C00, s5;
	s31 =	sshrl.u32 s7, $0x1  }
0xb: {  	s5 =	sshll.u32 s5, $0x6;
	s0 =	sadd.s32 s6, s0;
	s11 =	ssub.s32 s7, s31  }
0xc: {  	s6 =	sadd.s32 s4, s8;
	s10 =	sadd.s32 $0x278400, s0;
	s11 =	smax.u32 s11, $0x1  }
0xd: {  	s7 =	sadd.s32 $0x10, s6;
	s8 =	sadd.s32 $0x20, s6;
	s9 =	sadd.s32 $0x30, s6  }
.LBB2_12:
0xe: {  	s24 =	sadd.s32 $0x1, s24  }
0xf: {  	p0 =	sne.s32 s24, s11  }
.Ltmp1:
0x10: {  	_ = 	snop;
	(pc) =	sbr.rel @!p0 .LBB2_13-.Ltmp1, $4  }
0x11: {  	[hbm4b:s10+s3] =	stream.linear.scatter [tilespmem:s23], [sflag:$0x5], $0x8000, $0x38;
	[tilespmem:$0x12000] =	vst v63  }
0x12: {  	_ =	swait.ge [sflag:s12], $0x8000  }
0x13: {  	[sflag:s12] =	ssyncset.done $0x0  }
0x14: {  	[sflag:s12] =	ssyncadd.s32 $0xFFFF8000  }
.LBB2_1:
0x15: {  	s0 =	rddreg [dreg:$0x1]  }
0x16: {  	[tilespmem:s3], [sflag:$0x5] =	stream.linear.gather [hbm4b:s0+s3], $0x200, $0x38;
	[tilespmem:$0x12000] =	vst v63  }
0x17: {  	_ =	swait.ge [sflag:s12], $0x200  }
0x18: {  	[sflag:s12] =	ssyncset.done $0x0  }
0x19: {  	[sflag:s12] =	ssyncadd.s32 $0xFFFFFE00  }
0x1a: {  	[tilespmem:s15], [sflag:$0x1] =	stream.strided.gather [hbm4b:s6+s13], $0x2780, s14, s13, $0x38;
	[tilespmem:$0x12000] =	vst v63  }
0x1b: {  	_ = 	snop  }
0x1c: {  	[tilespmem:s16], [sflag:$0x2] =	stream.strided.gather [hbm4b:s7+s13], $0x2780, s14, s13, $0x38;
	[tilespmem:$0x12000] =	vst v63  }
0x1d: {  	_ = 	snop  }
0x1e: {  	[tilespmem:s17], [sflag:$0x3] =	stream.strided.gather [hbm4b:s8+s13], $0x2780, s14, s13, $0x38;
	[tilespmem:$0x12000] =	vst v63  }
0x1f: {  	s25 =	simm.s32 $0x0  }
0x20: {  	[tilespmem:s18], [sflag:$0x4] =	stream.strided.gather [hbm4b:s9+s13], $0x2780, s14, s13, $0x38;
	[tilespmem:$0x12000] =	vst v63  }
.LBB2_2:
0x21: {  	_ =	swait.ge [sflag:s19], $0x2780  }
0x22: {  	s0 =	sshll.u32 s25, $0xB;
	[sflag:s19] =	ssyncset.done $0x0  }
0x23: {  	s29 =	simm.s32 $0x0;
	s0 =	sand.u32 $0x3FFFF800, s0;
	[sflag:s19] =	ssyncadd.s32 $0xFFFFD880  }
0x24: {  	s26 =	simm.s32 $0x10;
	s30 =	simm.s32 $0x0;
	s28 =	sadd.s32 $0xA000, s0;
	v0 =	vld [tilespmem:s29+$0x0]  }
.LBB2_3:
0x25: {  	p0 =	sne.s32 s26, $0x1F0;
	_ =	sdelay $0x6  }
0x26: {  	v0 =	vld.idx.msk [tilespmem:v0+s15+$0x0], $0xffff;
	_ =	sdelay $0x2  }
.Ltmp2:
0x27: {  	s0 =	sand.u32 $0x180, s29;
	(pc) =	sbr.rel @p0 .LBB2_3-.Ltmp2, $4  }
0x28: {  	s31 =	sand.u32 $0x70, s29;
	s29 =	smov.u32 s26;
	s0 =	sadd.s32 s0, s28  }
0x29: {  	s0 =	sadd.s32 s31, s0  }
0x2a: {  	s30 =	sadd.s32 $0x10, s30;
	[tilespmem:s0+$0x0] =	vst v0  }
0x2b: {  	s26 =	sadd.s32 $0x10, s26;
	v0 =	vld [tilespmem:s30+$0x0]  }
0x2c: {  	_ =	sdelay $0x4  }
0x2d: {  	s26 =	sshll.u32 s25, $0x2;
	p0 =	seq.s32 s25, $0xF  }
0x2e: {  	s0 =	sor.u32 @!p0 s5, s26  }
0x2f: {  	s0 =	sadd.s32 @!p0 $0x4, s0  }
0x30: {  	s30 =	sshrl.u32 @!p0 s0, $0x3;
	v0 =	vld.idx.msk [tilespmem:v0+s15+$0x0], $0xffff  }
0x31: {  	s0 =	sshll.u32 @!p0 s0, $0x7;
	s30 =	smul.u32 @!p0 $0x13C00, s30  }
0x32: {  	s31 =	sand.u32 $0x180, s29;
	s0 =	sand.u32 @!p0 $0x200, s0  }
0x33: {  	s29 =	sand.u32 $0x70, s29;
	s28 =	sadd.s32 s31, s28;
	s0 =	sor.u32 @!p0 s0, s30  }
0x34: {  	s28 =	sadd.s32 s29, s28;
	s29 =	simm.s32 @!p0 $0x400;
	s0 =	sshrl.u32 @!p0 s0, $0x3  }
0x35: {  	s30 =	simm.s32 @!p0 $0x200;
	s0 =	sadd.s32 @!p0 s4, s0;
	[tilespmem:s28+$0x0] =	vst v0;
	s28 =	simm.s32 @!p0 $0x80  }
0x36: {  	[tilespmem:s30], [sflag:$0x1] =	stream.strided.gather @!p0 [hbm4b:s0+s28], $0x2780, s29, s28, $0x38;
	[tilespmem:$0x12000] =	vst v63  }
0x37: {  	s30 =	sor.u32 $0x1, s26;
	_ =	swait.ge [sflag:s20], $0x2780  }
0x38: {  	s2 =	sshll.u32 s30, $0x9;
	[sflag:s20] =	ssyncset.done $0x0  }
0x39: {  	s29 =	simm.s32 $0x0;
	s0 =	sand.u32 $0x3FFFFE00, s2;
	[sflag:s20] =	ssyncadd.s32 $0xFFFFD880  }
0x3a: {  	s31 =	simm.s32 $0x10;
	s28 =	sadd.s32 $0xA000, s0;
	s0 =	simm.s32 $0x0;
	v0 =	vld [tilespmem:s29+$0x0]  }
.LBB2_5:
0x3b: {  	p1 =	sne.s32 s31, $0x1F0;
	_ =	sdelay $0x6  }
0x3c: {  	v0 =	vld.idx.msk [tilespmem:v0+s16+$0x0], $0xffff;
	_ =	sdelay $0x2  }
.Ltmp3:
0x3d: {  	s1 =	sand.u32 $0x180, s29;
	(pc) =	sbr.rel @p1 .LBB2_5-.Ltmp3, $4  }
0x3e: {  	s2 =	sand.u32 $0x70, s29;
	s29 =	smov.u32 s31;
	s1 =	sadd.s32 s1, s28  }
0x3f: {  	s1 =	sadd.s32 s2, s1  }
0x40: {  	s0 =	sadd.s32 $0x10, s0;
	[tilespmem:s1+$0x0] =	vst v0  }
0x41: {  	s31 =	sadd.s32 $0x10, s31;
	v0 =	vld [tilespmem:s0+$0x0]  }
0x42: {  	_ =	sdelay $0x5  }
0x43: {  	s0 =	sor.u32 @!p0 s5, s30  }
0x44: {  	s0 =	sadd.s32 @!p0 $0x4, s0  }
0x45: {  	s1 =	sshrl.u32 @!p0 s0, $0x3;
	v0 =	vld.idx.msk [tilespmem:v0+s16+$0x0], $0xffff  }
0x46: {  	s0 =	sshll.u32 @!p0 s0, $0x7;
	s1 =	smul.u32 @!p0 $0x13C00, s1  }
0x47: {  	s2 =	sand.u32 $0x180, s29;
	s0 =	sand.u32 @!p0 $0x280, s0  }
0x48: {  	s2 =	sadd.s32 s2, s28;
	s0 =	sor.u32 @!p0 s0, s1;
	s1 =	sand.u32 $0x70, s29  }
0x49: {  	s28 =	simm.s32 @!p0 $0x2980;
	s0 =	sshrl.u32 @!p0 s0, $0x3;
	s1 =	sadd.s32 s1, s2  }
0x4a: {  	s2 =	simm.s32 @!p0 $0x400;
	s0 =	sadd.s32 @!p0 s4, s0;
	[tilespmem:s1+$0x0] =	vst v0;
	s1 =	simm.s32 @!p0 $0x80  }
0x4b: {  	[tilespmem:s28], [sflag:$0x2] =	stream.strided.gather @!p0 [hbm4b:s0+s1], $0x2780, s2, s1, $0x38;
	[tilespmem:$0x12000] =	vst v63  }
0x4c: {  	s30 =	sor.u32 $0x2, s26;
	_ =	swait.ge [sflag:s21], $0x2780  }
0x4d: {  	s2 =	sshll.u32 s30, $0x9;
	[sflag:s21] =	ssyncset.done $0x0  }
0x4e: {  	s29 =	simm.s32 $0x0;
	s0 =	sand.u32 $0x3FFFFE00, s2;
	[sflag:s21] =	ssyncadd.s32 $0xFFFFD880  }
0x4f: {  	s31 =	simm.s32 $0x10;
	s28 =	sadd.s32 $0xA000, s0;
	s0 =	simm.s32 $0x0;
	v0 =	vld [tilespmem:s29+$0x0]  }
.LBB2_7:
0x50: {  	p1 =	sne.s32 s31, $0x1F0;
	_ =	sdelay $0x6  }
0x51: {  	v0 =	vld.idx.msk [tilespmem:v0+s17+$0x0], $0xffff;
	_ =	sdelay $0x2  }
.Ltmp4:
0x52: {  	s1 =	sand.u32 $0x180, s29;
	(pc) =	sbr.rel @p1 .LBB2_7-.Ltmp4, $4  }
0x53: {  	s2 =	sand.u32 $0x70, s29;
	s29 =	smov.u32 s31;
	s1 =	sadd.s32 s1, s28  }
0x54: {  	s1 =	sadd.s32 s2, s1  }
0x55: {  	s0 =	sadd.s32 $0x10, s0;
	[tilespmem:s1+$0x0] =	vst v0  }
0x56: {  	s31 =	sadd.s32 $0x10, s31;
	v0 =	vld [tilespmem:s0+$0x0]  }
0x57: {  	_ =	sdelay $0x5  }
0x58: {  	s0 =	sor.u32 @!p0 s5, s30  }
0x59: {  	s0 =	sadd.s32 @!p0 $0x4, s0  }
0x5a: {  	s1 =	sshrl.u32 @!p0 s0, $0x3;
	v0 =	vld.idx.msk [tilespmem:v0+s17+$0x0], $0xffff  }
0x5b: {  	s0 =	sshll.u32 @!p0 s0, $0x7;
	s1 =	smul.u32 @!p0 $0x13C00, s1  }
0x5c: {  	s31 =	sand.u32 $0x180, s29;
	s0 =	sand.u32 @!p0 $0x300, s0  }
0x5d: {  	s2 =	sand.u32 $0x70, s29;
	s0 =	sor.u32 @!p0 s0, s1;
	s1 =	sadd.s32 s31, s28  }
0x5e: {  	s28 =	simm.s32 @!p0 $0x5100;
	s0 =	sshrl.u32 @!p0 s0, $0x3;
	s1 =	sadd.s32 s2, s1  }
0x5f: {  	s2 =	simm.s32 @!p0 $0x400;
	s0 =	sadd.s32 @!p0 s4, s0;
	[tilespmem:s1+$0x0] =	vst v0;
	s1 =	simm.s32 @!p0 $0x80  }
0x60: {  	[tilespmem:s28], [sflag:$0x3] =	stream.strided.gather @!p0 [hbm4b:s0+s1], $0x2780, s2, s1, $0x38;
	[tilespmem:$0x12000] =	vst v63  }
0x61: {  	s26 =	sor.u32 $0x3, s26;
	_ =	swait.ge [sflag:s22], $0x2780  }
0x62: {  	s31 =	sshll.u32 s26, $0x9;
	[sflag:s22] =	ssyncset.done $0x0  }
0x63: {  	s29 =	simm.s32 $0x0;
	s0 =	sand.u32 $0x3FFFFE00, s31;
	[sflag:s22] =	ssyncadd.s32 $0xFFFFD880  }
0x64: {  	s30 =	simm.s32 $0x10;
	s28 =	sadd.s32 $0xA000, s0;
	s0 =	simm.s32 $0x0;
	v0 =	vld [tilespmem:s29+$0x0]  }
.LBB2_9:
0x65: {  	p1 =	sne.s32 s30, $0x1F0;
	_ =	sdelay $0x6  }
0x66: {  	v0 =	vld.idx.msk [tilespmem:v0+s18+$0x0], $0xffff;
	_ =	sdelay $0x2  }
.Ltmp5:
0x67: {  	s1 =	sand.u32 $0x180, s29;
	(pc) =	sbr.rel @p1 .LBB2_9-.Ltmp5, $4  }
0x68: {  	s2 =	sand.u32 $0x70, s29;
	s29 =	smov.u32 s30;
	s1 =	sadd.s32 s1, s28  }
0x69: {  	s1 =	sadd.s32 s2, s1  }
0x6a: {  	s0 =	sadd.s32 $0x10, s0;
	[tilespmem:s1+$0x0] =	vst v0  }
0x6b: {  	s30 =	sadd.s32 $0x10, s30;
	v0 =	vld [tilespmem:s0+$0x0]  }
0x6c: {  	_ =	sdelay $0x7  }
0x6d: {  	v0 =	vld.idx.msk [tilespmem:v0+s18+$0x0], $0xffff  }
.Ltmp6:
0x6e: {  	_ = 	snop;
	(pc) =	sbr.rel @p0 .LBB2_12-.Ltmp6, $4  }
0x6f: {  	s0 =	sand.u32 $0x180, s29  }
0x70: {  	s1 =	sand.u32 $0x70, s29;
	s0 =	sadd.s32 s0, s28  }
0x71: {  	s0 =	sadd.s32 s1, s0  }
0x72: {  	[tilespmem:s0+$0x0] =	vst v0  }
0x73: {  	s0 =	sor.u32 s5, s26  }
0x74: {  	s0 =	sadd.s32 $0x4, s0  }
0x75: {  	s1 =	sshrl.u32 s0, $0x3  }
0x76: {  	s0 =	sshll.u32 s0, $0x7;
	s1 =	smul.u32 $0x13C00, s1  }
.Ltmp7:
0x77: {  	s0 =	sand.u32 $0x380, s0;
	(pc) =	sbr.rel .LBB2_2-.Ltmp7, $4  }
0x78: {  	s0 =	sor.u32 s0, s1  }
0x79: {  	s0 =	sshrl.u32 s0, $0x3  }
0x7a: {  	s25 =	sadd.s32 $0x1, s25;
	s0 =	sadd.s32 s4, s0  }
0x7b: {  	[tilespmem:s18], [sflag:$0x4] =	stream.strided.gather [hbm4b:s0+s13], $0x2780, s14, s13, $0x38;
	[tilespmem:$0x12000] =	vst v63  }
.LBB2_13:
0x7c: {  	_ =	sfence.sel $0x180000  }
0x7d: {  	[bflag:$0x0] =	sbarrier.arrive $0xFFFF  }
0x7e: {  	_ =	strace $0x90000047  }
0x7f: {  	s0 =	stileid.u32;
	[bflag:$0x2] =	sbarrier.arrive $0xFFFF  }
0x80: {  	p0 =	sne.s32 s0, $0x0;
	s0 =	rddreg [dreg:$0x2]  }
0x81: {  	s0 =	sadd.s32 @!p0 $0x100000, s0  }
0x82: {  	[sflag:s0] =	ssyncadd.tile.s32 @!p0 $0x1;
	_ =	shalt  }
.Lfunc_end2:
_tile_overlayer_lowered:
.L_overlay_start_2:
0x83: {  	(tag) =	ssettag $0x2  }
0x84: {  	s0 =	rddreg [dreg:$0x0];
	s2 =	stileid.u32  }
0x85: {  	s1 =	rddreg [dreg:$0x1];
	p0 =	sne.s32 s2, $0x0  }
0x86: {  	s3 =	rddreg [dreg:$0x2];
	[bflag:$0x3] =	sbarrier.arrive $0xFFFF;
	s2 =	simm.s32 @!p0 $0x1C05  }
0x87: {  	[timem:s3], [sflag:s2] =	dma.local @!p0 [hbm:s0], s1  }
0x88: {  	s0 =	simm.s32 @!p0 $0x5  }
0x89: {  	_ =	swait.ge @!p0 [sflag:s0], s1  }
0x8a: {  	s1 =	ssub.s32 @!p0 $0x0, s1;
	[sflag:s0] =	ssyncset.done @!p0 $0x0  }
0x8b: {  	[sflag:s0] =	ssyncadd.s32 @!p0 s1  }
0x8c: {  	[bflag:$0x3] =	sbarrier.arrive $0xFFFF  }
0x8d: {  	_ =	shalt  }

</sc_bundles>
